<compile_context>
chip_gen: v7x
topology: tpu7x:2x2x1
jax: 0.10.2.dev20260603
libtpu: 0.0.44.dev20260713+nightly
codegen_flags: <defaults>
</compile_context>

<pallas_src>
import jax
import jax.numpy as jnp
from jax.experimental import pallas as pl
from jax.experimental.pallas import tpu as pltpu

B, T, D, H = 16, 4096, 128, 128
N_BLK = 8
T_BLK = T // N_BLK


def _rnn_kernel(xt_ref, h0_ref, wih_ref, whh_ref, wout_ref, b_ref, bout_ref,
                out_ref, h_ref, az_ref):
    i = pl.program_id(0)

    @pl.when(i == 0)
    def _():
        h_ref[:] = h0_ref[:]

    xb = xt_ref[:].reshape(T_BLK * B, D)
    a = jnp.dot(xb, wih_ref[:], preferred_element_type=jnp.float32)
    az_ref[:] = (a + b_ref[:]).astype(jnp.bfloat16).reshape(T_BLK, B, H)

    whh = whh_ref[:]

    def step(t, h):
        hn = jnp.tanh(az_ref[t].astype(jnp.float32)
                      + jnp.dot(h, whh, preferred_element_type=jnp.float32))
        hb = hn.astype(jnp.bfloat16)
        az_ref[t] = hb
        return hb

    h_last = jax.lax.fori_loop(0, T_BLK, step, h_ref[:], unroll=8)
    h_ref[:] = h_last

    z = az_ref[:].reshape(T_BLK * B, H)
    out_ref[:] = (jnp.dot(z, wout_ref[:], preferred_element_type=jnp.float32)
                  + bout_ref[:]).reshape(T_BLK, B, D)


def kernel(x, h0, W_ih, W_hh, b_ih, b_hh, W_out, b_out):
    xt = jnp.transpose(x, (1, 0, 2)).astype(jnp.bfloat16)
    b = (b_ih + b_hh).reshape(1, H)
    bo = b_out.reshape(1, D)
    out_t = pl.pallas_call(
        _rnn_kernel,
        grid=(N_BLK,),
        in_specs=[
            pl.BlockSpec((T_BLK, B, D), lambda i: (i, 0, 0)),
            pl.BlockSpec((B, H), lambda i: (0, 0)),
            pl.BlockSpec((D, H), lambda i: (0, 0)),
            pl.BlockSpec((H, H), lambda i: (0, 0)),
            pl.BlockSpec((H, D), lambda i: (0, 0)),
            pl.BlockSpec((1, H), lambda i: (0, 0)),
            pl.BlockSpec((1, D), lambda i: (0, 0)),
        ],
        out_specs=pl.BlockSpec((T_BLK, B, D), lambda i: (i, 0, 0)),
        out_shape=jax.ShapeDtypeStruct((T, B, D), jnp.float32),
        scratch_shapes=[
            pltpu.VMEM((B, H), jnp.bfloat16),
            pltpu.VMEM((T_BLK, B, H), jnp.bfloat16),
        ],
    )(xt, h0.astype(jnp.bfloat16), W_ih.T.astype(jnp.bfloat16),
      W_hh.T.astype(jnp.bfloat16), W_out.T.astype(jnp.bfloat16), b, bo)
    return jnp.transpose(out_t, (1, 0, 2))

# --- scband reference (transcript-rebuilt; emitter-appended) ---
"""Pipeline reference for scband-block-rnn-3161095930435 (READ-ONLY COPY).

The authoritative reference and input builder live on the scoring server;
editing this copy changes nothing except your own understanding.
"""

import jax, jax.numpy as jnp
import numpy as np

N_BLOCKS = 8

def setup_inputs(seed: int = 0) -> dict:
    key = jax.random.key(seed)
    ks = jax.random.split(key, 8)
    B, T, D, H = 16, 4096, 128, 128
    x = jax.random.normal(ks[0], (B, T, D), dtype=jnp.float32)
    h0 = jnp.zeros((B, H), dtype=jnp.float32)
    s = 1.0 / np.sqrt(H)
    W_ih = jax.random.uniform(ks[1], (H, D), minval=-s, maxval=s, dtype=jnp.float32)
    W_hh = jax.random.uniform(ks[2], (H, H), minval=-s, maxval=s, dtype=jnp.float32)
    b_ih = jax.random.uniform(ks[3], (H,), minval=-s, maxval=s, dtype=jnp.float32)
    b_hh = jax.random.uniform(ks[4], (H,), minval=-s, maxval=s, dtype=jnp.float32)
    W_out = jax.random.uniform(ks[5], (D, H), minval=-s, maxval=s, dtype=jnp.float32)
    b_out = jax.random.uniform(ks[6], (D,), minval=-s, maxval=s, dtype=jnp.float32)
    return {"x": x, "h0": h0, "W_ih": W_ih, "W_hh": W_hh, "b_ih": b_ih, "b_hh": b_hh, "W_out": W_out, "b_out": b_out}

def _rnn_block(x_blk, h, W_ih, W_hh, b_ih, b_hh):
    # x_blk: [B, T_blk, D] -> time-major scan, vanilla tanh RNN (nn.RNN semantics)
    xt = jnp.transpose(x_blk, (1, 0, 2))
    def step(h_prev, x_t):
        h_new = jnp.tanh(x_t @ W_ih.T + b_ih + h_prev @ W_hh.T + b_hh)
        return h_new, h_new
    h_last, zs = jax.lax.scan(step, h, xt)
    return jnp.transpose(zs, (1, 0, 2)), h_last

def reference(x, h0, W_ih, W_hh, b_ih, b_hh, W_out, b_out):
    # BlockRNN.forward, torch.Tensor container path:
    # SequenceStruct.breakup(N) == chunk along seq dim; run rnn block-by-block,
    # carrying the hidden state h across blocks; then apply the out head.
    blocks = jnp.split(x, N_BLOCKS, axis=1)
    h = h0
    zs = []
    for xb in blocks:
        z, h = _rnn_block(xb, h, W_ih, W_hh, b_ih, b_hh)
        zs.append(z)
    z_all = jnp.concatenate(zs, axis=1)  # SequenceStruct.combine (cat dim=1)
    out = z_all @ W_out.T + b_out        # out head applied to rnn features
    return out

if __name__ == "__main__":
    import jax
    _d = setup_inputs()
    print(jax.jit(kernel)(*tuple(_d.values())))

</pallas_src>

<mosaic_0001>
module attributes {stable_mosaic.version = 14 : i64} {
  func.func @_rnn_kernel(%arg0: i32, %arg1: memref<512x16x128xbf16, #tpu.memory_space<vmem>>, %arg2: memref<16x128xbf16, #tpu.memory_space<vmem>>, %arg3: memref<128x128xbf16, #tpu.memory_space<vmem>>, %arg4: memref<128x128xbf16, #tpu.memory_space<vmem>>, %arg5: memref<128x128xbf16, #tpu.memory_space<vmem>>, %arg6: memref<1x128xf32, #tpu.memory_space<vmem>>, %arg7: memref<1x128xf32, #tpu.memory_space<vmem>>, %arg8: memref<512x16x128xf32, #tpu.memory_space<vmem>>, %arg9: memref<16x128xbf16, #tpu.memory_space<vmem>>, %arg10: memref<512x16x128xbf16, #tpu.memory_space<vmem>>) attributes {dimension_semantics = [#tpu.dimension_semantics<arbitrary>], iteration_bounds = array<i64: 8>, scalar_prefetch = 0 : i64, scratch_operands = 2 : i64, tpu.core_type = #tpu.core_type<tc>, window_params = [{transform_indices = @transform_0, window_bounds = array<i64: 512, 16, 128>}, {pipeline_mode = #tpu.pipeline_mode<synchronous>, transform_indices = @transform_1, window_bounds = array<i64: 16, 128>}, {pipeline_mode = #tpu.pipeline_mode<synchronous>, transform_indices = @transform_2, window_bounds = array<i64: 128, 128>}, {pipeline_mode = #tpu.pipeline_mode<synchronous>, transform_indices = @transform_3, window_bounds = array<i64: 128, 128>}, {pipeline_mode = #tpu.pipeline_mode<synchronous>, transform_indices = @transform_4, window_bounds = array<i64: 128, 128>}, {pipeline_mode = #tpu.pipeline_mode<synchronous>, transform_indices = @transform_5, window_bounds = array<i64: 1, 128>}, {pipeline_mode = #tpu.pipeline_mode<synchronous>, transform_indices = @transform_6, window_bounds = array<i64: 1, 128>}, {transform_indices = @transform_7, window_bounds = array<i64: 512, 16, 128>}]} {
    %eq3A = arith.constant 0 : i32
    %eq3A_0 = arith.cmpi eq, %arg0, %eq3A : i32
    %convert_element_type3A = arith.extui %eq3A_0 : i1 to i32
    %cond3A = arith.constant 0 : i32
    %cond3A_1 = arith.cmpi ne, %convert_element_type3A, %cond3A : i32
    scf.if %cond3A_1 {
      %get3A_52 = arith.constant 0 : index
      %get3A_53 = arith.constant 0 : index
      %get3A_54 = vector.load %arg2[%get3A_52, %get3A_53] : memref<16x128xbf16, #tpu.memory_space<vmem>>, vector<16x128xbf16>
      %swap3A_55 = arith.constant 0 : index
      %swap3A_56 = arith.constant 0 : index
      %swap3A_57 = vector.load %arg9[%swap3A_55, %swap3A_56] : memref<16x128xbf16, #tpu.memory_space<vmem>>, vector<16x128xbf16>
      tpu.vector_store %arg9[%swap3A_55, %swap3A_56], %get3A_54 {strides = array<i32>} : memref<16x128xbf16, #tpu.memory_space<vmem>>, vector<16x128xbf16>,
    } else {
    }
    %get3A = arith.constant 0 : index
    %get3A_2 = arith.constant 0 : index
    %get3A_3 = arith.constant 0 : index
    %get3A_4 = vector.load %arg1[%get3A, %get3A_2, %get3A_3] : memref<512x16x128xbf16, #tpu.memory_space<vmem>>, vector<512x16x128xbf16>
    %reshape3A = vector.shape_cast %get3A_4 : vector<512x16x128xbf16> to vector<8192x128xbf16>
    %get3A_5 = arith.constant 0 : index
    %get3A_6 = arith.constant 0 : index
    %get3A_7 = vector.load %arg3[%get3A_5, %get3A_6] : memref<128x128xbf16, #tpu.memory_space<vmem>>, vector<128x128xbf16>
    %dot_general3A = arith.constant dense<0.000000e+00> : vector<8192x128xf32>
    %dot_general3A_8 = tpu.matmul %reshape3A, %get3A_7, %dot_general3A {dimension_numbers = #tpu.dot_dimension_numbers<[1], [0], [0], [1], [0, 0, 1, 1], [], []>, transpose_lhs_hint = false} : vector<8192x128xbf16>, vector<128x128xbf16>, vector<8192x128xf32> -> vector<8192x128xf32>
    %get3A_9 = arith.constant 0 : index
    %get3A_10 = arith.constant 0 : index
    %get3A_11 = vector.load %arg6[%get3A_9, %get3A_10] : memref<1x128xf32, #tpu.memory_space<vmem>>, vector<1x128xf32>
    %add3A = vector.broadcast %get3A_11 : vector<1x128xf32> to vector<8192x128xf32>
    %add3A_12 = arith.addf %dot_general3A_8, %add3A : vector<8192x128xf32>
    %convert_element_type3A_13 = arith.truncf %add3A_12 : vector<8192x128xf32> to vector<8192x128xbf16>
    %reshape3A_14 = vector.shape_cast %convert_element_type3A_13 : vector<8192x128xbf16> to vector<512x16x128xbf16>
    %swap3A = arith.constant 0 : index
    %swap3A_15 = arith.constant 0 : index
    %swap3A_16 = arith.constant 0 : index
    %swap3A_17 = vector.load %arg10[%swap3A, %swap3A_15, %swap3A_16] : memref<512x16x128xbf16, #tpu.memory_space<vmem>>, vector<512x16x128xbf16>
    tpu.vector_store %arg10[%swap3A, %swap3A_15, %swap3A_16], %reshape3A_14 {strides = array<i32>} : memref<512x16x128xbf16, #tpu.memory_space<vmem>>, vector<512x16x128xbf16>,
    %get3A_18 = arith.constant 0 : index
    %get3A_19 = arith.constant 0 : index
    %get3A_20 = vector.load %arg4[%get3A_18, %get3A_19] : memref<128x128xbf16, #tpu.memory_space<vmem>>, vector<128x128xbf16>
    %get3A_21 = arith.constant 0 : index
    %get3A_22 = arith.constant 0 : index
    %get3A_23 = vector.load %arg9[%get3A_21, %get3A_22] : memref<16x128xbf16, #tpu.memory_space<vmem>>, vector<16x128xbf16>
    %scan3A = arith.constant 0 : i32
    %scan3A_24 = arith.constant 512 : i32
    %scan3A_25 = arith.addi %scan3A, %scan3A_24 : i32
    %scan3A_26 = arith.constant 8 : i32
    %scan3A_27 = scf.for %scan3A_52 = %scan3A to %scan3A_25 step %scan3A_26 iter_args(%scan3A_53 = %get3A_23) -> (vector<16x128xbf16>)  : i32 {
      %get3A_54 = arith.index_cast %scan3A_52 : i32 to index
      %get3A_55 = arith.constant 0 : index
      %get3A_56 = arith.constant 0 : index
      %get3A_57 = vector.load %arg10[%get3A_54, %get3A_55, %get3A_56] : memref<512x16x128xbf16, #tpu.memory_space<vmem>>, vector<1x16x128xbf16>
      %get3A_58 = vector.shape_cast %get3A_57 : vector<1x16x128xbf16> to vector<16x128xbf16>
      %convert_element_type3A_59 = arith.extf %get3A_58 : vector<16x128xbf16> to vector<16x128xf32>
      %dot_general3A_60 = arith.constant dense<0.000000e+00> : vector<16x128xf32>
      %dot_general3A_61 = tpu.matmul %scan3A_53, %get3A_20, %dot_general3A_60 {dimension_numbers = #tpu.dot_dimension_numbers<[1], [0], [0], [1], [0, 0, 1, 1], [], []>, transpose_lhs_hint = false} : vector<16x128xbf16>, vector<128x128xbf16>, vector<16x128xf32> -> vector<16x128xf32>
      %add3A_62 = arith.addf %convert_element_type3A_59, %dot_general3A_61 : vector<16x128xf32>
      %tanh3A = math.tanh %add3A_62 : vector<16x128xf32>
      %convert_element_type3A_63 = arith.truncf %tanh3A : vector<16x128xf32> to vector<16x128xbf16>
      %swap3A_64 = arith.index_cast %scan3A_52 : i32 to index
      %swap3A_65 = arith.constant 0 : index
      %swap3A_66 = arith.constant 0 : index
      %swap3A_67 = vector.load %arg10[%swap3A_64, %swap3A_65, %swap3A_66] : memref<512x16x128xbf16, #tpu.memory_space<vmem>>, vector<1x16x128xbf16>
      %swap3A_68 = vector.shape_cast %swap3A_67 : vector<1x16x128xbf16> to vector<16x128xbf16>
      %swap3A_69 = vector.shape_cast %convert_element_type3A_63 : vector<16x128xbf16> to vector<1x16x128xbf16>
      tpu.vector_store %arg10[%swap3A_64, %swap3A_65, %swap3A_66], %swap3A_69 {strides = array<i32>} : memref<512x16x128xbf16, #tpu.memory_space<vmem>>, vector<1x16x128xbf16>,
      %scan3A_70 = arith.constant 1 : i32
      %scan3A_71 = arith.addi %scan3A_52, %scan3A_70 : i32
      %get3A_72 = arith.index_cast %scan3A_71 : i32 to index
      %get3A_73 = arith.constant 0 : index
      %get3A_74 = arith.constant 0 : index
      %get3A_75 = vector.load %arg10[%get3A_72, %get3A_73, %get3A_74] : memref<512x16x128xbf16, #tpu.memory_space<vmem>>, vector<1x16x128xbf16>
      %get3A_76 = vector.shape_cast %get3A_75 : vector<1x16x128xbf16> to vector<16x128xbf16>
      %convert_element_type3A_77 = arith.extf %get3A_76 : vector<16x128xbf16> to vector<16x128xf32>
      %dot_general3A_78 = arith.constant dense<0.000000e+00> : vector<16x128xf32>
      %dot_general3A_79 = tpu.matmul %convert_element_type3A_63, %get3A_20, %dot_general3A_78 {dimension_numbers = #tpu.dot_dimension_numbers<[1], [0], [0], [1], [0, 0, 1, 1], [], []>, transpose_lhs_hint = false} : vector<16x128xbf16>, vector<128x128xbf16>, vector<16x128xf32> -> vector<16x128xf32>
      %add3A_80 = arith.addf %convert_element_type3A_77, %dot_general3A_79 : vector<16x128xf32>
      %tanh3A_81 = math.tanh %add3A_80 : vector<16x128xf32>
      %convert_element_type3A_82 = arith.truncf %tanh3A_81 : vector<16x128xf32> to vector<16x128xbf16>
      %swap3A_83 = arith.index_cast %scan3A_71 : i32 to index
      %swap3A_84 = arith.constant 0 : index
      %swap3A_85 = arith.constant 0 : index
      %swap3A_86 = vector.load %arg10[%swap3A_83, %swap3A_84, %swap3A_85] : memref<512x16x128xbf16, #tpu.memory_space<vmem>>, vector<1x16x128xbf16>
      %swap3A_87 = vector.shape_cast %swap3A_86 : vector<1x16x128xbf16> to vector<16x128xbf16>
      %swap3A_88 = vector.shape_cast %convert_element_type3A_82 : vector<16x128xbf16> to vector<1x16x128xbf16>
      tpu.vector_store %arg10[%swap3A_83, %swap3A_84, %swap3A_85], %swap3A_88 {strides = array<i32>} : memref<512x16x128xbf16, #tpu.memory_space<vmem>>, vector<1x16x128xbf16>,
      %scan3A_89 = arith.constant 2 : i32
      %scan3A_90 = arith.addi %scan3A_52, %scan3A_89 : i32
      %get3A_91 = arith.index_cast %scan3A_90 : i32 to index
      %get3A_92 = arith.constant 0 : index
      %get3A_93 = arith.constant 0 : index
      %get3A_94 = vector.load %arg10[%get3A_91, %get3A_92, %get3A_93] : memref<512x16x128xbf16, #tpu.memory_space<vmem>>, vector<1x16x128xbf16>
      %get3A_95 = vector.shape_cast %get3A_94 : vector<1x16x128xbf16> to vector<16x128xbf16>
      %convert_element_type3A_96 = arith.extf %get3A_95 : vector<16x128xbf16> to vector<16x128xf32>
      %dot_general3A_97 = arith.constant dense<0.000000e+00> : vector<16x128xf32>
      %dot_general3A_98 = tpu.matmul %convert_element_type3A_82, %get3A_20, %dot_general3A_97 {dimension_numbers = #tpu.dot_dimension_numbers<[1], [0], [0], [1], [0, 0, 1, 1], [], []>, transpose_lhs_hint = false} : vector<16x128xbf16>, vector<128x128xbf16>, vector<16x128xf32> -> vector<16x128xf32>
      %add3A_99 = arith.addf %convert_element_type3A_96, %dot_general3A_98 : vector<16x128xf32>
      %tanh3A_100 = math.tanh %add3A_99 : vector<16x128xf32>
      %convert_element_type3A_101 = arith.truncf %tanh3A_100 : vector<16x128xf32> to vector<16x128xbf16>
      %swap3A_102 = arith.index_cast %scan3A_90 : i32 to index
      %swap3A_103 = arith.constant 0 : index
      %swap3A_104 = arith.constant 0 : index
      %swap3A_105 = vector.load %arg10[%swap3A_102, %swap3A_103, %swap3A_104] : memref<512x16x128xbf16, #tpu.memory_space<vmem>>, vector<1x16x128xbf16>
      %swap3A_106 = vector.shape_cast %swap3A_105 : vector<1x16x128xbf16> to vector<16x128xbf16>
      %swap3A_107 = vector.shape_cast %convert_element_type3A_101 : vector<16x128xbf16> to vector<1x16x128xbf16>
      tpu.vector_store %arg10[%swap3A_102, %swap3A_103, %swap3A_104], %swap3A_107 {strides = array<i32>} : memref<512x16x128xbf16, #tpu.memory_space<vmem>>, vector<1x16x128xbf16>,
      %scan3A_108 = arith.constant 3 : i32
      %scan3A_109 = arith.addi %scan3A_52, %scan3A_108 : i32
      %get3A_110 = arith.index_cast %scan3A_109 : i32 to index
      %get3A_111 = arith.constant 0 : index
      %get3A_112 = arith.constant 0 : index
      %get3A_113 = vector.load %arg10[%get3A_110, %get3A_111, %get3A_112] : memref<512x16x128xbf16, #tpu.memory_space<vmem>>, vector<1x16x128xbf16>
      %get3A_114 = vector.shape_cast %get3A_113 : vector<1x16x128xbf16> to vector<16x128xbf16>
      %convert_element_type3A_115 = arith.extf %get3A_114 : vector<16x128xbf16> to vector<16x128xf32>
      %dot_general3A_116 = arith.constant dense<0.000000e+00> : vector<16x128xf32>
      %dot_general3A_117 = tpu.matmul %convert_element_type3A_101, %get3A_20, %dot_general3A_116 {dimension_numbers = #tpu.dot_dimension_numbers<[1], [0], [0], [1], [0, 0, 1, 1], [], []>, transpose_lhs_hint = false} : vector<16x128xbf16>, vector<128x128xbf16>, vector<16x128xf32> -> vector<16x128xf32>
      %add3A_118 = arith.addf %convert_element_type3A_115, %dot_general3A_117 : vector<16x128xf32>
      %tanh3A_119 = math.tanh %add3A_118 : vector<16x128xf32>
      %convert_element_type3A_120 = arith.truncf %tanh3A_119 : vector<16x128xf32> to vector<16x128xbf16>
      %swap3A_121 = arith.index_cast %scan3A_109 : i32 to index
      %swap3A_122 = arith.constant 0 : index
      %swap3A_123 = arith.constant 0 : index
      %swap3A_124 = vector.load %arg10[%swap3A_121, %swap3A_122, %swap3A_123] : memref<512x16x128xbf16, #tpu.memory_space<vmem>>, vector<1x16x128xbf16>
      %swap3A_125 = vector.shape_cast %swap3A_124 : vector<1x16x128xbf16> to vector<16x128xbf16>
      %swap3A_126 = vector.shape_cast %convert_element_type3A_120 : vector<16x128xbf16> to vector<1x16x128xbf16>
      tpu.vector_store %arg10[%swap3A_121, %swap3A_122, %swap3A_123], %swap3A_126 {strides = array<i32>} : memref<512x16x128xbf16, #tpu.memory_space<vmem>>, vector<1x16x128xbf16>,
      %scan3A_127 = arith.constant 4 : i32
      %scan3A_128 = arith.addi %scan3A_52, %scan3A_127 : i32
      %get3A_129 = arith.index_cast %scan3A_128 : i32 to index
      %get3A_130 = arith.constant 0 : index
      %get3A_131 = arith.constant 0 : index
      %get3A_132 = vector.load %arg10[%get3A_129, %get3A_130, %get3A_131] : memref<512x16x128xbf16, #tpu.memory_space<vmem>>, vector<1x16x128xbf16>
      %get3A_133 = vector.shape_cast %get3A_132 : vector<1x16x128xbf16> to vector<16x128xbf16>
      %convert_element_type3A_134 = arith.extf %get3A_133 : vector<16x128xbf16> to vector<16x128xf32>
      %dot_general3A_135 = arith.constant dense<0.000000e+00> : vector<16x128xf32>
      %dot_general3A_136 = tpu.matmul %convert_element_type3A_120, %get3A_20, %dot_general3A_135 {dimension_numbers = #tpu.dot_dimension_numbers<[1], [0], [0], [1], [0, 0, 1, 1], [], []>, transpose_lhs_hint = false} : vector<16x128xbf16>, vector<128x128xbf16>, vector<16x128xf32> -> vector<16x128xf32>
      %add3A_137 = arith.addf %convert_element_type3A_134, %dot_general3A_136 : vector<16x128xf32>
      %tanh3A_138 = math.tanh %add3A_137 : vector<16x128xf32>
      %convert_element_type3A_139 = arith.truncf %tanh3A_138 : vector<16x128xf32> to vector<16x128xbf16>
      %swap3A_140 = arith.index_cast %scan3A_128 : i32 to index
      %swap3A_141 = arith.constant 0 : index
      %swap3A_142 = arith.constant 0 : index
      %swap3A_143 = vector.load %arg10[%swap3A_140, %swap3A_141, %swap3A_142] : memref<512x16x128xbf16, #tpu.memory_space<vmem>>, vector<1x16x128xbf16>
      %swap3A_144 = vector.shape_cast %swap3A_143 : vector<1x16x128xbf16> to vector<16x128xbf16>
      %swap3A_145 = vector.shape_cast %convert_element_type3A_139 : vector<16x128xbf16> to vector<1x16x128xbf16>
      tpu.vector_store %arg10[%swap3A_140, %swap3A_141, %swap3A_142], %swap3A_145 {strides = array<i32>} : memref<512x16x128xbf16, #tpu.memory_space<vmem>>, vector<1x16x128xbf16>,
      %scan3A_146 = arith.constant 5 : i32
      %scan3A_147 = arith.addi %scan3A_52, %scan3A_146 : i32
      %get3A_148 = arith.index_cast %scan3A_147 : i32 to index
      %get3A_149 = arith.constant 0 : index
      %get3A_150 = arith.constant 0 : index
      %get3A_151 = vector.load %arg10[%get3A_148, %get3A_149, %get3A_150] : memref<512x16x128xbf16, #tpu.memory_space<vmem>>, vector<1x16x128xbf16>
      %get3A_152 = vector.shape_cast %get3A_151 : vector<1x16x128xbf16> to vector<16x128xbf16>
      %convert_element_type3A_153 = arith.extf %get3A_152 : vector<16x128xbf16> to vector<16x128xf32>
      %dot_general3A_154 = arith.constant dense<0.000000e+00> : vector<16x128xf32>
      %dot_general3A_155 = tpu.matmul %convert_element_type3A_139, %get3A_20, %dot_general3A_154 {dimension_numbers = #tpu.dot_dimension_numbers<[1], [0], [0], [1], [0, 0, 1, 1], [], []>, transpose_lhs_hint = false} : vector<16x128xbf16>, vector<128x128xbf16>, vector<16x128xf32> -> vector<16x128xf32>
      %add3A_156 = arith.addf %convert_element_type3A_153, %dot_general3A_155 : vector<16x128xf32>
      %tanh3A_157 = math.tanh %add3A_156 : vector<16x128xf32>
      %convert_element_type3A_158 = arith.truncf %tanh3A_157 : vector<16x128xf32> to vector<16x128xbf16>
      %swap3A_159 = arith.index_cast %scan3A_147 : i32 to index
      %swap3A_160 = arith.constant 0 : index
      %swap3A_161 = arith.constant 0 : index
      %swap3A_162 = vector.load %arg10[%swap3A_159, %swap3A_160, %swap3A_161] : memref<512x16x128xbf16, #tpu.memory_space<vmem>>, vector<1x16x128xbf16>
      %swap3A_163 = vector.shape_cast %swap3A_162 : vector<1x16x128xbf16> to vector<16x128xbf16>
      %swap3A_164 = vector.shape_cast %convert_element_type3A_158 : vector<16x128xbf16> to vector<1x16x128xbf16>
      tpu.vector_store %arg10[%swap3A_159, %swap3A_160, %swap3A_161], %swap3A_164 {strides = array<i32>} : memref<512x16x128xbf16, #tpu.memory_space<vmem>>, vector<1x16x128xbf16>,
      %scan3A_165 = arith.constant 6 : i32
      %scan3A_166 = arith.addi %scan3A_52, %scan3A_165 : i32
      %get3A_167 = arith.index_cast %scan3A_166 : i32 to index
      %get3A_168 = arith.constant 0 : index
      %get3A_169 = arith.constant 0 : index
      %get3A_170 = vector.load %arg10[%get3A_167, %get3A_168, %get3A_169] : memref<512x16x128xbf16, #tpu.memory_space<vmem>>, vector<1x16x128xbf16>
      %get3A_171 = vector.shape_cast %get3A_170 : vector<1x16x128xbf16> to vector<16x128xbf16>
      %convert_element_type3A_172 = arith.extf %get3A_171 : vector<16x128xbf16> to vector<16x128xf32>
      %dot_general3A_173 = arith.constant dense<0.000000e+00> : vector<16x128xf32>
      %dot_general3A_174 = tpu.matmul %convert_element_type3A_158, %get3A_20, %dot_general3A_173 {dimension_numbers = #tpu.dot_dimension_numbers<[1], [0], [0], [1], [0, 0, 1, 1], [], []>, transpose_lhs_hint = false} : vector<16x128xbf16>, vector<128x128xbf16>, vector<16x128xf32> -> vector<16x128xf32>
      %add3A_175 = arith.addf %convert_element_type3A_172, %dot_general3A_174 : vector<16x128xf32>
      %tanh3A_176 = math.tanh %add3A_175 : vector<16x128xf32>
      %convert_element_type3A_177 = arith.truncf %tanh3A_176 : vector<16x128xf32> to vector<16x128xbf16>
      %swap3A_178 = arith.index_cast %scan3A_166 : i32 to index
      %swap3A_179 = arith.constant 0 : index
      %swap3A_180 = arith.constant 0 : index
      %swap3A_181 = vector.load %arg10[%swap3A_178, %swap3A_179, %swap3A_180] : memref<512x16x128xbf16, #tpu.memory_space<vmem>>, vector<1x16x128xbf16>
      %swap3A_182 = vector.shape_cast %swap3A_181 : vector<1x16x128xbf16> to vector<16x128xbf16>
      %swap3A_183 = vector.shape_cast %convert_element_type3A_177 : vector<16x128xbf16> to vector<1x16x128xbf16>
      tpu.vector_store %arg10[%swap3A_178, %swap3A_179, %swap3A_180], %swap3A_183 {strides = array<i32>} : memref<512x16x128xbf16, #tpu.memory_space<vmem>>, vector<1x16x128xbf16>,
      %scan3A_184 = arith.constant 7 : i32
      %scan3A_185 = arith.addi %scan3A_52, %scan3A_184 : i32
      %get3A_186 = arith.index_cast %scan3A_185 : i32 to index
      %get3A_187 = arith.constant 0 : index
      %get3A_188 = arith.constant 0 : index
      %get3A_189 = vector.load %arg10[%get3A_186, %get3A_187, %get3A_188] : memref<512x16x128xbf16, #tpu.memory_space<vmem>>, vector<1x16x128xbf16>
      %get3A_190 = vector.shape_cast %get3A_189 : vector<1x16x128xbf16> to vector<16x128xbf16>
      %convert_element_type3A_191 = arith.extf %get3A_190 : vector<16x128xbf16> to vector<16x128xf32>
      %dot_general3A_192 = arith.constant dense<0.000000e+00> : vector<16x128xf32>
      %dot_general3A_193 = tpu.matmul %convert_element_type3A_177, %get3A_20, %dot_general3A_192 {dimension_numbers = #tpu.dot_dimension_numbers<[1], [0], [0], [1], [0, 0, 1, 1], [], []>, transpose_lhs_hint = false} : vector<16x128xbf16>, vector<128x128xbf16>, vector<16x128xf32> -> vector<16x128xf32>
      %add3A_194 = arith.addf %convert_element_type3A_191, %dot_general3A_193 : vector<16x128xf32>
      %tanh3A_195 = math.tanh %add3A_194 : vector<16x128xf32>
      %convert_element_type3A_196 = arith.truncf %tanh3A_195 : vector<16x128xf32> to vector<16x128xbf16>
      %swap3A_197 = arith.index_cast %scan3A_185 : i32 to index
      %swap3A_198 = arith.constant 0 : index
      %swap3A_199 = arith.constant 0 : index
      %swap3A_200 = vector.load %arg10[%swap3A_197, %swap3A_198, %swap3A_199] : memref<512x16x128xbf16, #tpu.memory_space<vmem>>, vector<1x16x128xbf16>
      %swap3A_201 = vector.shape_cast %swap3A_200 : vector<1x16x128xbf16> to vector<16x128xbf16>
      %swap3A_202 = vector.shape_cast %convert_element_type3A_196 : vector<16x128xbf16> to vector<1x16x128xbf16>
      tpu.vector_store %arg10[%swap3A_197, %swap3A_198, %swap3A_199], %swap3A_202 {strides = array<i32>} : memref<512x16x128xbf16, #tpu.memory_space<vmem>>, vector<1x16x128xbf16>,
      scf.yield %convert_element_type3A_196 : vector<16x128xbf16>
    }
    %scan3A_28 = arith.constant 512 : i32
    %swap3A_29 = arith.constant 0 : index
    %swap3A_30 = arith.constant 0 : index
    %swap3A_31 = vector.load %arg9[%swap3A_29, %swap3A_30] : memref<16x128xbf16, #tpu.memory_space<vmem>>, vector<16x128xbf16>
    tpu.vector_store %arg9[%swap3A_29, %swap3A_30], %scan3A_27 {strides = array<i32>} : memref<16x128xbf16, #tpu.memory_space<vmem>>, vector<16x128xbf16>,
    %get3A_32 = arith.constant 0 : index
    %get3A_33 = arith.constant 0 : index
    %get3A_34 = arith.constant 0 : index
    %get3A_35 = vector.load %arg10[%get3A_32, %get3A_33, %get3A_34] : memref<512x16x128xbf16, #tpu.memory_space<vmem>>, vector<512x16x128xbf16>
    %reshape3A_36 = vector.shape_cast %get3A_35 : vector<512x16x128xbf16> to vector<8192x128xbf16>
    %get3A_37 = arith.constant 0 : index
    %get3A_38 = arith.constant 0 : index
    %get3A_39 = vector.load %arg5[%get3A_37, %get3A_38] : memref<128x128xbf16, #tpu.memory_space<vmem>>, vector<128x128xbf16>
    %dot_general3A_40 = arith.constant dense<0.000000e+00> : vector<8192x128xf32>
    %dot_general3A_41 = tpu.matmul %reshape3A_36, %get3A_39, %dot_general3A_40 {dimension_numbers = #tpu.dot_dimension_numbers<[1], [0], [0], [1], [0, 0, 1, 1], [], []>, transpose_lhs_hint = false} : vector<8192x128xbf16>, vector<128x128xbf16>, vector<8192x128xf32> -> vector<8192x128xf32>
    %get3A_42 = arith.constant 0 : index
    %get3A_43 = arith.constant 0 : index
    %get3A_44 = vector.load %arg7[%get3A_42, %get3A_43] : memref<1x128xf32, #tpu.memory_space<vmem>>, vector<1x128xf32>
    %add3A_45 = vector.broadcast %get3A_44 : vector<1x128xf32> to vector<8192x128xf32>
    %add3A_46 = arith.addf %dot_general3A_41, %add3A_45 : vector<8192x128xf32>
    %reshape3A_47 = vector.shape_cast %add3A_46 : vector<8192x128xf32> to vector<512x16x128xf32>
    %swap3A_48 = arith.constant 0 : index
    %swap3A_49 = arith.constant 0 : index
    %swap3A_50 = arith.constant 0 : index
    %swap3A_51 = vector.load %arg8[%swap3A_48, %swap3A_49, %swap3A_50] : memref<512x16x128xf32, #tpu.memory_space<vmem>>, vector<512x16x128xf32>
    tpu.vector_store %arg8[%swap3A_48, %swap3A_49, %swap3A_50], %reshape3A_47 {strides = array<i32>} : memref<512x16x128xf32, #tpu.memory_space<vmem>>, vector<512x16x128xf32>,
    return
  }
  func.func @transform_0(%arg0: i32) -> (i32, i32, i32) {
    %c0_i32 = arith.constant 0 : i32
    %c0_i32_0 = arith.constant 0 : i32
    %c0_i32_1 = arith.constant 0 : i32
    return %arg0, %c0_i32, %c0_i32_0 : i32, i32, i32
  }
  func.func @transform_1(%arg0: i32) -> (i32, i32) {
    %c0_i32 = arith.constant 0 : i32
    %c0_i32_0 = arith.constant 0 : i32
    %c0_i32_1 = arith.constant 0 : i32
    return %c0_i32, %c0_i32_0 : i32, i32
  }
  func.func @transform_2(%arg0: i32) -> (i32, i32) {
    %c0_i32 = arith.constant 0 : i32
    %c0_i32_0 = arith.constant 0 : i32
    %c0_i32_1 = arith.constant 0 : i32
    return %c0_i32, %c0_i32_0 : i32, i32
  }
  func.func @transform_3(%arg0: i32) -> (i32, i32) {
    %c0_i32 = arith.constant 0 : i32
    %c0_i32_0 = arith.constant 0 : i32
    %c0_i32_1 = arith.constant 0 : i32
    return %c0_i32, %c0_i32_0 : i32, i32
  }
  func.func @transform_4(%arg0: i32) -> (i32, i32) {
    %c0_i32 = arith.constant 0 : i32
    %c0_i32_0 = arith.constant 0 : i32
    %c0_i32_1 = arith.constant 0 : i32
    return %c0_i32, %c0_i32_0 : i32, i32
  }
  func.func @transform_5(%arg0: i32) -> (i32, i32) {
    %c0_i32 = arith.constant 0 : i32
    %c0_i32_0 = arith.constant 0 : i32
    %c0_i32_1 = arith.constant 0 : i32
    return %c0_i32, %c0_i32_0 : i32, i32
  }
  func.func @transform_6(%arg0: i32) -> (i32, i32) {
    %c0_i32 = arith.constant 0 : i32
    %c0_i32_0 = arith.constant 0 : i32
    %c0_i32_1 = arith.constant 0 : i32
    return %c0_i32, %c0_i32_0 : i32, i32
  }
  func.func @transform_7(%arg0: i32) -> (i32, i32, i32) {
    %c0_i32 = arith.constant 0 : i32
    %c0_i32_0 = arith.constant 0 : i32
    %c0_i32_1 = arith.constant 0 : i32
    return %arg0, %c0_i32, %c0_i32_0 : i32, i32, i32
  }
}

</mosaic_0001>

<sc_bundles>
// kernel: sparse-core-data-format-call.cloned.1.call-start
scs
called_computation_lowered:
.L_overlay_start_0:
0x0: {  	s2 =	sld [smem:$0x3FD9]  }
0x1: {  	s3 =	sld [smem:$0x3FFE];
	_ =	sdelay $0x1  }
0x2: {  	s1 =	srdreg.scid  }
0x3: {  	s0 =	sand.u32 $0x1, s1  }
0x4: {  	s18 =	sshll.u32 s0, $0xA;
	s2 =	sadd.s32 s3, s2  }
0x5: {  	s2 =	sadd.s32 s2, s18  }
0x6: {  	[smem:$0x3FC0] =	sst s2  }
0x7: {  	_ = 	snop  }
0x8: {  	s2 =	sld [smem:$0x3FD0];
	(tm) =	ssettm $0x1  }
0x9: {  	s19 =	sld [smem:$0x3FFB];
	_ =	sdelay $0x3  }
0xa: {  	_ =	strace s19  }
0xb: {  	s3 =	sld [smem:$0x3FFC];
	_ =	sdelay $0x3  }
0xc: {  	_ =	strace s3  }
0xd: {  	s3 =	sld [smem:$0x3FFD];
	_ =	sdelay $0x3  }
0xe: {  	_ =	strace s3  }
0xf: {  	_ =	strace $0x8FFFFFFF  }
0x10: {  	s20 =	sld [smem:$0x3FDB];
	_ =	sdelay $0x1  }
0x11: {  	s4 =	simm.s32 $_scs_section_size  }
0x12: {  	s5 =	simm.s32 $_size__tile_overlayer_lowered;
	s6 =	simm.s32 $_tile_overlayer_lowered  }
0x13: {  	s23 =	simm.s32 $0x1BFF;
	s22 =	sshll.u32 s6, $0x1;
	s3 =	sadd.s32 s4, s20  }
0x14: {  	s7 =	simm.s32 $0x0;
	s21 =	sshll.u32 s5, $0x1;
	s5 =	sadd.s32 s22, s3  }
0x15: {  	[timem:s7], [sflag:s23] =	dma.local [hbm:s5], s21  }
0x16: {  	_ =	swait.ge [sflag:s23], s21  }
0x17: {  	s4 =	ssub.s32 $0x0, s21;
	[sflag:s23] =	ssyncset.done $0x0  }
0x18: {  	[sflag:s23] =	ssyncadd.s32 s4;
	_ =	sdelay $0x1  }
0x19: {  	s24 =	simm.s32 $0x1B8B  }
0x1a: {  	_ =	swait.ge [sflag:s24], $0x1  }
0x1b: {  	[sflag:s24] =	ssyncset.done $0x0  }
0x1c: {  	s26 =	simm.s32 $0x1B8E;
	s25 =	sld [smem:$0x3FFE];
	[sflag:s24] =	ssyncadd.s32 $0xFFFFFFFF  }
0x1d: {  	s27 =	simm.s32 $execute0_lowered;
	[smem:$0x3FD2] =	sst s26  }
0x1e: {  	s5 =	sshll.u32 s27, $0x1;
	_ =	strace $0x80000046;
	[dreg:$0x1] =	wrdreg $0xFFFFFFFF  }
0x1f: {  	s28 =	simm.s32 $_size_execute0_lowered;
	s3 =	sadd.s32 s3, s5;
	[dreg:$0x0] =	wrdreg $0x0  }
0x20: {  	s5 =	sshll.u32 s28, $0x1;
	[dreg:$0x2] =	wrdreg s3  }
0x21: {  	[dreg:$0x3] =	wrdreg s5  }
0x22: {  	[dreg:$0x4] =	wrdreg $0xC0  }
0x23: {  	_ =	task [dreg:s7], $0x5FFFF  }
0x24: {  	[dreg:$0x1] =	wrdreg $0xFFFFFFFF  }
0x25: {  	[dreg:$0x0] =	wrdreg $0x60  }
0x26: {  	[dreg:$0x2] =	wrdreg s25  }
0x27: {  	[dreg:$0x3] =	wrdreg s2  }
0x28: {  	[dreg:$0x4] =	wrdreg $0x9  }
0x29: {  	_ =	task.clear_ibuf [dreg:s7], $0x5FFFF;
	_ =	strace $0x90000046  }
0x2a: {  	s29 =	simm.s32 $0x9;
	_ =	strace $0x80000048  }
0x2b: {  	_ =	swait.ge [sflag:s29], $0x1  }
0x2c: {  	[sflag:s29] =	ssyncadd.s32 $0xFFFFFFFF  }
0x2d: {  	_ =	strace $0x90000048  }
0x2e: {  	_ =	sfence  }
0x2f: {  	s30 =	sld [smem:$0x0];
	_ =	sdelay $0x2  }
0x30: {  	s31 =	sshll.u32 s1, $0xD;
	s1 =	sshrl.u32 s1, $0x2  }
0x31: {  	s3 =	sand.u32 $0x4000, s31;
	s1 =	sadd.s32 s1, s30  }
0x32: {  	s0 =	sor.u32 s3, s0;
	s1 =	sshll.u32 s1, $0x11  }
0x33: {  	s0 =	sor.u32 s1, s0  }
0x34: {  	s0 =	sadd.s32 $0x8F2B, s0  }
0x35: {  	[sflag:s0] =	ssyncadd.remote.s32 $0x1  }
0x36: {  	_ =	sfence.sel $0xFFFF  }
0x37: {  	[dreg:$0x0] =	wrdreg $0xFFFFFFFF;
	(pc) =	sbr.abs _section_cstart, $3  }
0x38: {  	[dreg:$0x1] =	wrdreg $0xFFFFFFFF  }
0x39: {  	_ =	task.clear_ibuf [dreg:s7], $0x2FFFF;
	_ =	strace $0x9FFFFFFF  }
0x3a: {  	(tm) =	ssettm $0x7FFFFFFF  }
0x3b: {  	_ =	shalt  }
tec
execute0_lowered:
.L_overlay_start_1:
0x0: {  	(tag) =	ssettag $0x1  }
0x1: {  	s0 =	srdreg.scid  }
0x2: {  	s5 =	rddreg [dreg:$0x0];
	s1 =	sshll.u32 s0, $0x4  }
0x3: {  	s2 =	rddreg [dreg:$0x1];
	s0 =	stileid.u32;
	s1 =	sand.u32 $0x10, s1  }
0x4: {  	s4 =	simm.s32 $0x1;
	s8 =	simm.s32 $0x2;
	s1 =	sor.u32 s0, s1  }
0x5: {  	s13 =	simm.s32 $0x0;
	s9 =	simm.s32 $0x80000;
	s3 =	sshll.u32 s1, $0x3  }
0x6: {  	s10 =	simm.s32 $0x0;
	s12 =	simm.s32 $0x0;
	s6 =	ssub.s32 $0x1000, s3  }
.Ltmp0:
0x7: {  	s5 =	sadd.s32 $0xA00, s5;
	s7 =	sand.u32 $0xF8, s6;
	(pc) =	sbr.rel .LBB1_1-.Ltmp0, $4  }
0x8: {  	s1 =	rddreg [dreg:$0x2];
	p0 =	sne.s32 s7, $0x0;
	s7 =	simm.s32 $0x1  }
0x9: {  	_ =	strace $0x80000047;
	s6 =	sshrl.u32 s6, $0x8;
	s7 =	simm.s32 @!p0 $0x0  }
0xa: {  	[sflag:s4] =	ssyncpa.u1 $0x0;
	s11 =	smov.u32 s3;
	s6 =	sadd.s32 s7, s6  }
0xb: {  	[sflag:s8] =	ssyncpa.u1 $0x0;
	s8 =	simm.s32 $0x400;
	s7 =	sadd.s32 $0x1, s6  }
.LBB1_7:
0xc: {  	s15 =	sadd.s32 $0x100, s11  }
0xd: {  	p1 =	sgt.s32 s15, $0xFFF  }
0xe: {  	s15 =	smov.u32 @p1 s3;
	p1 =	sne.s32 s12, s7  }
.Ltmp1:
0xf: {  	p0 =	slt.u32 s12, $0x2;
	(pc) =	sbr.rel @!p1 .LBB1_8-.Ltmp1, $4  }
0x10: {  	s14 =	simm.s32 @!p0 $0x2  }
0x11: {  	s16 =	sadd.s32 $0x1, s12;
	_ =	swait.ge @!p0 [sflag:s14], $0x4000  }
0x12: {  	s13 =	smov.u32 s11;
	s10 =	sadd.s32 $0x4000, s10;
	[sflag:s14] =	ssyncset.done @!p0 $0x0  }
0x13: {  	s12 =	smov.u32 s16;
	s11 =	smov.u32 s15;
	[sflag:s14] =	ssyncadd.s32 @!p0 $0xFFFFC000  }
.LBB1_1:
0x14: {  	p0 =	sge.u32 s12, s6  }
0x15: {  	s14 =	sxor.u32 @!p0 $0xFFFFFFFF, s12  }
0x16: {  	s31 =	sadd.s32 $0xFFFFFFFF, s12;
	s15 =	sshll.u32 @!p0 s11, $0x8;
	s14 =	sshll.u32 @!p0 s14, $0xE  }
0x17: {  	s16 =	simm.s32 @!p0 $0x0;
	s15 =	sadd.s32 @!p0 s5, s15;
	s14 =	sand.u32 @!p0 $0x4000, s14  }
0x18: {  	[tilespmem:s14], [sflag:$0x1] =	stream.linear.gather @!p0 [hbm4b:s15+s16], $0x4000, $0x38;
	[tilespmem:$0x10000] =	vst v63  }
0x19: {  	p0 =	sge.u32 s31, s6  }
.Ltmp2:
0x1a: {  	_ = 	snop;
	(pc) =	sbr.rel @p0 .LBB1_7-.Ltmp2, $1  }
0x1b: {  	_ =	sdelay $0x3  }
0x1c: {  	s15 =	sand.u32 $0x4000, s10  }
0x1d: {  	_ =	swait.ge [sflag:s4], $0x4000;
	s17 =	sshll.u32 s12, $0xE;
	s14 =	sor.u32 $0x8040, s15  }
0x1e: {  	s16 =	sor.u32 $0x40, s15;
	[sflag:s4] =	ssyncset.done $0x0;
	s31 =	sand.u32 $0x4000, s17  }
0x1f: {  	s17 =	simm.s32 $0x0;
	[sflag:s4] =	ssyncadd.s32 $0xFFFFC000;
	s15 =	sor.u32 $0x8000, s31  }
.LBB1_3:
0x20: {  	v0 =	vmov s16;
	_ =	sdelay $0x3  }
0x21: {  	s19 =	simm.s32 $0x0  }
0x22: {  	v6 =	vld.idx.msk [tilespmem:v0+s19+$0x30 ss:$0x1], $0xffff  }
0x23: {  	v7 =	vld.idx.msk [tilespmem:v0+s19+$0xFFFFFFC0 ss:$0x1], $0xffff  }
0x24: {  	v5 =	vld.idx.msk [tilespmem:v0+s19+$0xFFFFFFD0 ss:$0x1], $0xffff  }
0x25: {  	v4 =	vld.idx.msk [tilespmem:v0+s19+$0xFFFFFFE0 ss:$0x1], $0xffff  }
0x26: {  	v3 =	vld.idx.msk [tilespmem:v0+s19+$0xFFFFFFF0 ss:$0x1], $0xffff  }
0x27: {  	v1 =	vld.idx.msk [tilespmem:v0+s19+$0x0 ss:$0x1], $0xffff  }
0x28: {  	v2 =	vld.idx.msk [tilespmem:v0+s19+$0x10 ss:$0x1], $0xffff;
	[tilespmem:s14+$0x30] =	vst v6  }
0x29: {  	s18 =	simm.s32 $0x80;
	s20 =	simm.s32 $0x400;
	[tilespmem:s14+$0xFFFFFFC0] =	vst v7;
	v6 =	vld.idx.msk [tilespmem:v0+s19+$0x20 ss:$0x1], $0xffff;
	s19 =	smov.u32 s14  }
.LBB1_4:
0x2a: {  	p0 =	sne.s32 s20, $0x1E00;
	v7 =	vld.idx.msk [tilespmem:v0+s18+$0x30 ss:$0x1], $0xffff;
	[tilespmem:s19+$0xFFFFFFD0] =	vst v5  }
0x2b: {  	v8 =	vld.idx.msk [tilespmem:v0+s18+$0xFFFFFFC0 ss:$0x1], $0xffff;
	[tilespmem:s19+$0xFFFFFFE0] =	vst v4  }
0x2c: {  	v5 =	vld.idx.msk [tilespmem:v0+s18+$0xFFFFFFD0 ss:$0x1], $0xffff;
	[tilespmem:s19+$0xFFFFFFF0] =	vst v3  }
.Ltmp3:
0x2d: {  	v4 =	vld.idx.msk [tilespmem:v0+s18+$0xFFFFFFE0 ss:$0x1], $0xffff;
	[tilespmem:s19+$0x0] =	vst v1;
	(pc) =	sbr.rel @p0 .LBB1_4-.Ltmp3, $4  }
0x2e: {  	v3 =	vld.idx.msk [tilespmem:v0+s18+$0xFFFFFFF0 ss:$0x1], $0xffff;
	[tilespmem:s19+$0x10] =	vst v2  }
0x2f: {  	v1 =	vld.idx.msk [tilespmem:v0+s18+$0x0 ss:$0x1], $0xffff;
	[tilespmem:s19+$0x20] =	vst v6;
	s19 =	sadd.s32 $0x400, s19  }
0x30: {  	v2 =	vld.idx.msk [tilespmem:v0+s18+$0x10 ss:$0x1], $0xffff;
	[tilespmem:s19+$0x30] =	vst v7  }
0x31: {  	[tilespmem:s19+$0xFFFFFFC0] =	vst v8;
	v6 =	vld.idx.msk [tilespmem:v0+s18+$0x20 ss:$0x1], $0xffff;
	s18 =	sshra.s32 s20, $0x2;
	s20 =	sadd.s32 $0x200, s20  }
0x32: {  	_ =	sdelay $0x2  }
0x33: {  	[tilespmem:s19+$0xFFFFFFD0] =	vst v5  }
0x34: {  	v56 =	vld.idx.msk [tilespmem:v0+s18+$0x30 ss:$0x1], $0xffff;
	[tilespmem:s19+$0xFFFFFFE0] =	vst v4  }
0x35: {  	v57 =	vld.idx.msk [tilespmem:v0+s18+$0xFFFFFFC0 ss:$0x1], $0xffff;
	[tilespmem:s19+$0xFFFFFFF0] =	vst v3  }
0x36: {  	v58 =	vld.idx.msk [tilespmem:v0+s18+$0xFFFFFFD0 ss:$0x1], $0xffff;
	[tilespmem:s19+$0x0] =	vst v1  }
0x37: {  	v59 =	vld.idx.msk [tilespmem:v0+s18+$0xFFFFFFE0 ss:$0x1], $0xffff;
	[tilespmem:s19+$0x10] =	vst v2  }
0x38: {  	v60 =	vld.idx.msk [tilespmem:v0+s18+$0xFFFFFFF0 ss:$0x1], $0xffff;
	s31 =	sadd.s32 $0x400, s19;
	[tilespmem:s19+$0x20] =	vst v6  }
0x39: {  	v61 =	vld.idx.msk [tilespmem:v0+s18+$0x0 ss:$0x1], $0xffff;
	[tilespmem:s31+$0x30] =	vst v56  }
0x3a: {  	v62 =	vld.idx.msk [tilespmem:v0+s18+$0x10 ss:$0x1], $0xffff;
	s17 =	sadd.s32 $0x1, s17;
	[tilespmem:s31+$0xFFFFFFC0] =	vst v57  }
0x3b: {  	v63 =	vld.idx.msk [tilespmem:v0+s18+$0x20 ss:$0x1], $0xffff;
	p0 =	sne.s32 s17, $0x8;
	[tilespmem:s31+$0xFFFFFFD0] =	vst v58  }
.Ltmp4:
0x3c: {  	[tilespmem:s31+$0xFFFFFFE0] =	vst v59;
	(pc) =	sbr.rel @p0 .LBB1_3-.Ltmp4, $4  }
0x3d: {  	[tilespmem:s31+$0xFFFFFFF0] =	vst v60  }
0x3e: {  	[tilespmem:s31+$0x0] =	vst v61  }
0x3f: {  	[tilespmem:s31+$0x10] =	vst v62  }
0x40: {  	s14 =	sadd.s32 $0x80, s14;
	s16 =	sadd.s32 $0x800, s16;
	[tilespmem:s31+$0x20] =	vst v63  }
.Ltmp5:
0x41: {  	(pc) =	sbr.rel .LBB1_7-.Ltmp5, $4  }
0x42: {  	s13 =	sshll.u32 s13, $0x4  }
0x43: {  	s13 =	sand.u32 $0xFFF0, s13  }
0x44: {  	s13 =	sadd.s32 s2, s13  }
0x45: {  	[hbm4b:s13+s8] =	stream.strided.scatter [tilespmem:s15], [sflag:$0x2], $0x4000, s9, s8, $0x38;
	[tilespmem:$0x10000] =	vst v63  }
.LBB1_8:
0x46: {  	_ =	sfence.sel $0x180000  }
0x47: {  	s2 =	simm.s32 $0x1;
	[bflag:$0x0] =	sbarrier.arrive $0xFFFF  }
0x48: {  	s31 =	simm.s32 $0x2;
	[sflag:s2] =	ssyncpa.u1 $0x1  }
0x49: {  	[sflag:s31] =	ssyncpa.u1 $0x1  }
0x4a: {  	p0 =	sne.s32 s0, $0x0;
	_ =	strace $0x90000047  }
0x4b: {  	s0 =	sadd.s32 @!p0 $0x100000, s1;
	[bflag:$0x2] =	sbarrier.arrive $0xFFFF  }
0x4c: {  	[sflag:s0] =	ssyncadd.tile.s32 @!p0 $0x1;
	_ =	shalt  }
.Lfunc_end1:
_tile_overlayer_lowered:
.L_overlay_start_2:
0x4d: {  	(tag) =	ssettag $0x2  }
0x4e: {  	s0 =	rddreg [dreg:$0x0];
	s2 =	stileid.u32  }
0x4f: {  	s1 =	rddreg [dreg:$0x1];
	p0 =	sne.s32 s2, $0x0  }
0x50: {  	s3 =	rddreg [dreg:$0x2];
	[bflag:$0x3] =	sbarrier.arrive $0xFFFF;
	s2 =	simm.s32 @!p0 $0x1C01  }
0x51: {  	[timem:s3], [sflag:s2] =	dma.local @!p0 [hbm:s0], s1  }
0x52: {  	s0 =	simm.s32 @!p0 $0x1  }
0x53: {  	_ =	swait.ge @!p0 [sflag:s0], s1  }
0x54: {  	s1 =	ssub.s32 @!p0 $0x0, s1;
	[sflag:s0] =	ssyncset.done @!p0 $0x0  }
0x55: {  	[sflag:s0] =	ssyncadd.s32 @!p0 s1  }
0x56: {  	[bflag:$0x3] =	sbarrier.arrive $0xFFFF  }
0x57: {  	_ =	shalt  }

</sc_bundles>
